<compile_context>
chip_gen: v7x
topology: tpu7x:2x2x1
jax: 0.10.2.dev20260603
libtpu: 0.0.44.dev20260713+nightly
codegen_flags: <defaults>
</compile_context>

<pallas_src>
import jax
import jax.numpy as jnp
from jax.experimental import pallas as pl
from jax.experimental.pallas import tpu as pltpu

_ROWS = 16384
_COLS = 2048
_WORDS = _COLS // 4
_BLOCK_ROWS = 512
_GRID = _ROWS // _BLOCK_ROWS


def _mse_body(p_ref, t_ref, w_ref, sq_ref, cnt_ref):
    i = pl.program_id(0)
    d = p_ref[...] - t_ref[...]
    sq = jnp.sum(d * d)
    c = jnp.sum(w_ref[0:8, :].astype(jnp.float32))

    @pl.when(i == 0)
    def _init():
        sq_ref[0, 0] = sq
        cnt_ref[0, 0] = c

    @pl.when(i > 0)
    def _acc():
        sq_ref[0, 0] += sq
        cnt_ref[0, 0] += c


def kernel(y_pred, y_true, mask):
    p = y_pred.reshape(_ROWS, _COLS)
    t = y_true.reshape(_ROWS, _COLS)
    w = jax.lax.bitcast_convert_type(
        mask.reshape(_ROWS, _WORDS, 4).astype(jnp.uint8), jnp.uint32
    )
    data_spec = pl.BlockSpec((_BLOCK_ROWS, _COLS), lambda i: (i, 0))
    word_spec = pl.BlockSpec((_BLOCK_ROWS, _WORDS), lambda i: (i, 0))
    out_spec = pl.BlockSpec((1, 1), lambda i: (0, 0), memory_space=pltpu.SMEM)
    sq, cnt = pl.pallas_call(
        _mse_body,
        grid=(_GRID,),
        in_specs=[data_spec, data_spec, word_spec],
        out_specs=[out_spec, out_spec],
        out_shape=[
            jax.ShapeDtypeStruct((1, 1), jnp.float32),
            jax.ShapeDtypeStruct((1, 1), jnp.float32),
        ],
    )(p, t, w)
    return sq[0, 0] / cnt[0, 0]

# --- scband reference (transcript-rebuilt; emitter-appended) ---
"""Pipeline reference for scband-masked-mseloss-27685359190264 (READ-ONLY COPY).

The authoritative reference and input builder live on the scoring server;
editing this copy changes nothing except your own understanding.
"""

import jax, jax.numpy as jnp
import numpy as np


def setup_inputs(seed: int = 0) -> dict:
    key = jax.random.key(seed)
    k1, k2, k3 = jax.random.split(key, 3)
    shape = (2, 8192, 2048)
    y_pred = jax.random.normal(k1, shape, dtype=jnp.float32)
    y_true = jax.random.normal(k2, shape, dtype=jnp.float32)
    mask = jax.random.randint(k3, shape, 0, 2).astype(jnp.bool_)
    return {"y_pred": y_pred, "y_true": y_true, "mask": mask}


def reference(y_pred, y_true, mask):
    # torch.masked_select selects masked elements; MSELoss(reduction='mean')
    # over the selected elements == sum of masked squared diffs / count(mask).
    diff = jnp.where(mask, y_pred - y_true, 0.0)
    sq_sum = jnp.sum(diff * diff)
    cnt = jnp.sum(mask.astype(jnp.float32))
    return sq_sum / cnt

if __name__ == "__main__":
    import jax
    _d = setup_inputs()
    print(jax.jit(kernel)(*tuple(_d.values())))

</pallas_src>

<mosaic_0001>
module attributes {stable_mosaic.version = 14 : i64} {
  func.func @_mse_body(%arg0: i32, %arg1: memref<512x2048xf32, #tpu.memory_space<vmem>>, %arg2: memref<512x2048xf32, #tpu.memory_space<vmem>>, %arg3: memref<512x512xi32, #tpu.memory_space<vmem>>, %arg4: memref<1x1xf32, #tpu.memory_space<smem>>, %arg5: memref<1x1xf32, #tpu.memory_space<smem>>) attributes {dimension_semantics = [#tpu.dimension_semantics<arbitrary>], iteration_bounds = array<i64: 32>, scalar_prefetch = 0 : i64, scratch_operands = 0 : i64, tpu.core_type = #tpu.core_type<tc>, window_params = [{transform_indices = @transform_0, window_bounds = array<i64: 512, 2048>}, {transform_indices = @transform_1, window_bounds = array<i64: 512, 2048>}, {transform_indices = @transform_2, window_bounds = array<i64: 512, 512>}, {transform_indices = @transform_3, window_bounds = array<i64: 1, 1>}, {transform_indices = @transform_4, window_bounds = array<i64: 1, 1>}]} {
    %get3A = arith.constant 0 : index
    %get3A_0 = arith.constant 0 : index
    %get3A_1 = vector.load %arg1[%get3A, %get3A_0] : memref<512x2048xf32, #tpu.memory_space<vmem>>, vector<512x2048xf32>
    %get3A_2 = arith.constant 0 : index
    %get3A_3 = arith.constant 0 : index
    %get3A_4 = vector.load %arg2[%get3A_2, %get3A_3] : memref<512x2048xf32, #tpu.memory_space<vmem>>, vector<512x2048xf32>
    %sub3A = arith.subf %get3A_1, %get3A_4 : vector<512x2048xf32>
    %mul3A = arith.mulf %sub3A, %sub3A : vector<512x2048xf32>
    %reduce_sum3A = vector.shape_cast %mul3A : vector<512x2048xf32> to vector<1x512x2048xf32>
    %reduce_sum3A_5 = arith.constant dense<0.000000e+00> : vector<1xf32>
    %reduce_sum3A_6 = vector.multi_reduction <add>, %reduce_sum3A, %reduce_sum3A_5 [1, 2] : vector<1x512x2048xf32> to vector<1xf32>
    %reduce_sum3A_7 = vector.shape_cast %reduce_sum3A_6 : vector<1xf32> to vector<1x1x1xf32>
    %reduce_sum3A_8 = vector.extract %reduce_sum3A_7[0, 0, 0] : f32 from vector<1x1x1xf32>
    %get3A_9 = arith.constant 0 : index
    %get3A_10 = arith.constant 0 : index
    %get3A_11 = vector.load %arg3[%get3A_9, %get3A_10] : memref<512x512xi32, #tpu.memory_space<vmem>>, vector<8x512xi32>
    %convert_element_type3A = arith.uitofp %get3A_11 : vector<8x512xi32> to vector<8x512xf32>
    %reduce_sum3A_12 = vector.shape_cast %convert_element_type3A : vector<8x512xf32> to vector<1x8x512xf32>
    %reduce_sum3A_13 = arith.constant dense<0.000000e+00> : vector<1xf32>
    %reduce_sum3A_14 = vector.multi_reduction <add>, %reduce_sum3A_12, %reduce_sum3A_13 [1, 2] : vector<1x8x512xf32> to vector<1xf32>
    %reduce_sum3A_15 = vector.shape_cast %reduce_sum3A_14 : vector<1xf32> to vector<1x1x1xf32>
    %reduce_sum3A_16 = vector.extract %reduce_sum3A_15[0, 0, 0] : f32 from vector<1x1x1xf32>
    %eq3A = arith.constant 0 : i32
    %eq3A_17 = arith.cmpi eq, %arg0, %eq3A : i32
    %convert_element_type3A_18 = arith.extui %eq3A_17 : i1 to i32
    %cond3A = arith.constant 0 : i32
    %cond3A_19 = arith.cmpi ne, %convert_element_type3A_18, %cond3A : i32
    scf.if %cond3A_19 {
      %swap3A = arith.constant 0 : index
      %swap3A_24 = arith.constant 0 : index
      %swap3A_25 = memref.load %arg4[%swap3A, %swap3A_24] : memref<1x1xf32, #tpu.memory_space<smem>>
      memref.store %reduce_sum3A_8, %arg4[%swap3A, %swap3A_24] : memref<1x1xf32, #tpu.memory_space<smem>>
      %swap3A_26 = arith.constant 0 : index
      %swap3A_27 = arith.constant 0 : index
      %swap3A_28 = memref.load %arg5[%swap3A_26, %swap3A_27] : memref<1x1xf32, #tpu.memory_space<smem>>
      memref.store %reduce_sum3A_16, %arg5[%swap3A_26, %swap3A_27] : memref<1x1xf32, #tpu.memory_space<smem>>
    } else {
    }
    %gt3A = arith.constant 0 : i32
    %gt3A_20 = arith.cmpi sgt, %arg0, %gt3A : i32
    %convert_element_type3A_21 = arith.extui %gt3A_20 : i1 to i32
    %cond3A_22 = arith.constant 0 : i32
    %cond3A_23 = arith.cmpi ne, %convert_element_type3A_21, %cond3A_22 : i32
    scf.if %cond3A_23 {
      %get3A_24 = arith.constant 0 : index
      %get3A_25 = arith.constant 0 : index
      %get3A_26 = memref.load %arg4[%get3A_24, %get3A_25] : memref<1x1xf32, #tpu.memory_space<smem>>
      %add3A = arith.addf %get3A_26, %reduce_sum3A_8 : f32
      %swap3A = arith.constant 0 : index
      %swap3A_27 = arith.constant 0 : index
      %swap3A_28 = memref.load %arg4[%swap3A, %swap3A_27] : memref<1x1xf32, #tpu.memory_space<smem>>
      memref.store %add3A, %arg4[%swap3A, %swap3A_27] : memref<1x1xf32, #tpu.memory_space<smem>>
      %get3A_29 = arith.constant 0 : index
      %get3A_30 = arith.constant 0 : index
      %get3A_31 = memref.load %arg5[%get3A_29, %get3A_30] : memref<1x1xf32, #tpu.memory_space<smem>>
      %add3A_32 = arith.addf %get3A_31, %reduce_sum3A_16 : f32
      %swap3A_33 = arith.constant 0 : index
      %swap3A_34 = arith.constant 0 : index
      %swap3A_35 = memref.load %arg5[%swap3A_33, %swap3A_34] : memref<1x1xf32, #tpu.memory_space<smem>>
      memref.store %add3A_32, %arg5[%swap3A_33, %swap3A_34] : memref<1x1xf32, #tpu.memory_space<smem>>
    } else {
    }
    return
  }
  func.func @transform_0(%arg0: i32) -> (i32, i32) {
    %c0_i32 = arith.constant 0 : i32
    %c0_i32_0 = arith.constant 0 : i32
    return %arg0, %c0_i32 : i32, i32
  }
  func.func @transform_1(%arg0: i32) -> (i32, i32) {
    %c0_i32 = arith.constant 0 : i32
    %c0_i32_0 = arith.constant 0 : i32
    return %arg0, %c0_i32 : i32, i32
  }
  func.func @transform_2(%arg0: i32) -> (i32, i32) {
    %c0_i32 = arith.constant 0 : i32
    %c0_i32_0 = arith.constant 0 : i32
    return %arg0, %c0_i32 : i32, i32
  }
  func.func @transform_3(%arg0: i32) -> (i32, i32) {
    %c0_i32 = arith.constant 0 : i32
    %c0_i32_0 = arith.constant 0 : i32
    %c0_i32_1 = arith.constant 0 : i32
    return %c0_i32, %c0_i32_0 : i32, i32
  }
  func.func @transform_4(%arg0: i32) -> (i32, i32) {
    %c0_i32 = arith.constant 0 : i32
    %c0_i32_0 = arith.constant 0 : i32
    %c0_i32_1 = arith.constant 0 : i32
    return %c0_i32, %c0_i32_0 : i32, i32
  }
}

</mosaic_0001>

<sc_bundles>
// kernel: sparse-core-data-format-call.cloned.1.call-start
scs
called_computation_lowered:
.L_overlay_start_0:
0x0: {  	s1 =	sld [smem:$0x3FD9]  }
0x1: {  	s2 =	sld [smem:$0x3FFE];
	_ =	sdelay $0x1  }
0x2: {  	s3 =	srdreg.scid  }
0x3: {  	s0 =	sand.u32 $0x1, s3  }
0x4: {  	s17 =	sshll.u32 s0, $0xA;
	s1 =	sadd.s32 s2, s1  }
0x5: {  	s1 =	sadd.s32 s1, s17  }
0x6: {  	[smem:$0x3FC5] =	sst s1  }
0x7: {  	_ = 	snop  }
0x8: {  	(tm) =	ssettm $0x1  }
0x9: {  	s18 =	sld [smem:$0x3FFB];
	_ =	sdelay $0x3  }
0xa: {  	_ =	strace s18  }
0xb: {  	s1 =	sld [smem:$0x3FFC];
	_ =	sdelay $0x3  }
0xc: {  	_ =	strace s1  }
0xd: {  	s1 =	sld [smem:$0x3FFD];
	_ =	sdelay $0x3  }
0xe: {  	_ =	strace s1  }
0xf: {  	_ =	strace $0x8FFFFFFF  }
0x10: {  	s19 =	sld [smem:$0x3FDB];
	_ =	sdelay $0x1  }
0x11: {  	s20 =	simm.s32 $_scs_section_size  }
0x12: {  	s4 =	simm.s32 $_size__tile_overlayer_lowered;
	s5 =	simm.s32 $_tile_overlayer_lowered  }
0x13: {  	s23 =	simm.s32 $0x1BFF;
	s22 =	sshll.u32 s5, $0x1;
	s1 =	sadd.s32 s20, s19  }
0x14: {  	s6 =	simm.s32 $0x0;
	s21 =	sshll.u32 s4, $0x1;
	s4 =	sadd.s32 s22, s1  }
0x15: {  	[timem:s6], [sflag:s23] =	dma.local [hbm:s4], s21  }
0x16: {  	_ =	swait.ge [sflag:s23], s21  }
0x17: {  	s2 =	ssub.s32 $0x0, s21;
	[sflag:s23] =	ssyncset.done $0x0  }
0x18: {  	[sflag:s23] =	ssyncadd.s32 s2;
	_ =	sdelay $0x1  }
0x19: {  	s24 =	simm.s32 $0x1B8B  }
0x1a: {  	_ =	swait.ge [sflag:s24], $0x1  }
0x1b: {  	[sflag:s24] =	ssyncset.done $0x0  }
0x1c: {  	s26 =	simm.s32 $0x1B8E;
	s25 =	sld [smem:$0x3FFE];
	[sflag:s24] =	ssyncadd.s32 $0xFFFFFFFF  }
0x1d: {  	s27 =	simm.s32 $execute0_lowered;
	[smem:$0x3FD2] =	sst s26  }
0x1e: {  	s4 =	sshll.u32 s27, $0x1;
	_ =	strace $0x80000046;
	[dreg:$0x1] =	wrdreg $0xFFFFFFFF  }
0x1f: {  	s28 =	simm.s32 $_size_execute0_lowered;
	s1 =	sadd.s32 s1, s4;
	[dreg:$0x0] =	wrdreg $0x0  }
0x20: {  	s4 =	sshll.u32 s28, $0x1;
	[dreg:$0x2] =	wrdreg s1  }
0x21: {  	[dreg:$0x3] =	wrdreg s4  }
0x22: {  	[dreg:$0x4] =	wrdreg $0xC0  }
0x23: {  	_ =	task [dreg:s6], $0x5FFFF  }
0x24: {  	[dreg:$0x1] =	wrdreg $0xFFFFFFFF  }
0x25: {  	[dreg:$0x0] =	wrdreg $0x60  }
0x26: {  	[dreg:$0x2] =	wrdreg s25  }
0x27: {  	[dreg:$0x3] =	wrdreg $0x9  }
0x28: {  	_ =	task.clear_ibuf [dreg:s6], $0x4FFFF;
	_ =	strace $0x90000046  }
0x29: {  	s29 =	simm.s32 $0x9;
	_ =	strace $0x80000048  }
0x2a: {  	_ =	swait.ge [sflag:s29], $0x1  }
0x2b: {  	[sflag:s29] =	ssyncadd.s32 $0xFFFFFFFF  }
0x2c: {  	_ =	strace $0x90000048  }
0x2d: {  	_ =	sfence  }
0x2e: {  	s30 =	sld [smem:$0x0];
	_ =	sdelay $0x2  }
0x2f: {  	s31 =	sshll.u32 s3, $0xD;
	s3 =	sshrl.u32 s3, $0x2  }
0x30: {  	s2 =	sand.u32 $0x4000, s31;
	s1 =	sadd.s32 s3, s30  }
0x31: {  	s0 =	sor.u32 s2, s0;
	s1 =	sshll.u32 s1, $0x11  }
0x32: {  	s0 =	sor.u32 s1, s0  }
0x33: {  	s0 =	sadd.s32 $0x8F2B, s0  }
0x34: {  	[sflag:s0] =	ssyncadd.remote.s32 $0x1  }
0x35: {  	_ =	sfence.sel $0xFFFF  }
0x36: {  	[dreg:$0x0] =	wrdreg $0xFFFFFFFF;
	(pc) =	sbr.abs _section_cstart, $3  }
0x37: {  	[dreg:$0x1] =	wrdreg $0xFFFFFFFF  }
0x38: {  	_ =	task.clear_ibuf [dreg:s6], $0x2FFFF;
	_ =	strace $0x9FFFFFFF  }
0x39: {  	(tm) =	ssettm $0x7FFFFFFF  }
tec
execute0_lowered:
.L_overlay_start_1:
0x0: {  	(tag) =	ssettag $0x1  }
0x1: {  	s0 =	stileid.u32  }
0x2: {  	s1 =	srdreg.scid;
	s5 =	rddreg [dreg:$0x0];
	s31 =	simm.s32 $0x2  }
0x3: {  	s15 =	simm.s32 $0x0;
	s2 =	sshll.u32 s0, $0x6;
	s1 =	sshll.u32 s1, $0xA  }
0x4: {  	s9 =	simm.s32 $0x4000;
	s14 =	simm.s32 $0x0;
	s1 =	sor.u32 s2, s1  }
0x5: {  	s16 =	simm.s32 $0x0;
	s10 =	simm.s32 $0x0;
	s1 =	sand.u32 $0x780, s1  }
0x6: {  	s13 =	simm.s32 $0x0;
	s2 =	sand.u32 $0x1, s0;
	s3 =	ssub.s32 $0x2000, s1  }
0x7: {  	s4 =	ssub.s32 $0x2, s2;
	s12 =	smov.u32 s2;
	s6 =	sand.u32 $0x780, s3  }
0x8: {  	s7 =	sshrl.u32 s4, $0x1;
	p0 =	sne.s32 s6, $0x0;
	s6 =	simm.s32 $0x1  }
0x9: {  	s4 =	sand.u32 $0x1, s4;
	s8 =	sshrl.u32 s3, $0xB;
	s6 =	simm.s32 @!p0 $0x0  }
.Ltmp0:
0xa: {  	s4 =	sadd.s32 s4, s7;
	s6 =	sadd.s32 s6, s8;
	(pc) =	sbr.rel .LBB1_1-.Ltmp0, $4  }
0xb: {  	s11 =	smov.u32 s1;
	s3 =	rddreg [dreg:$0x1];
	s7 =	smul.u32 s6, s4  }
0xc: {  	_ =	strace $0x80000047;
	p0 =	por $0x0, $0x0;
	s6 =	simm.s32 $0x1  }
0xd: {  	s4 =	sadd.s32 $0x200, s5;
	[sflag:s6] =	ssyncpa.u1 $0x0;
	s7 =	sshll.u32 s7, $0x4  }
0xe: {  	s5 =	sadd.s32 $0x400200, s5;
	[sflag:s31] =	ssyncpa.u1 $0x0;
	s8 =	sor.u32 $0x1, s7  }
.LBB1_4:
0xf: {  	v5 =	vld [tilespmem:s20+$0xFFFFFFD0];
	[tilespmem:s19+$0x2040 ss:$0x81] =	vst.msk $0xffff, v1  }
0x10: {  	v58 =	vld [tilespmem:s20+$0xFFFFFFE0];
	[tilespmem:s19+$0x2850 ss:$0x81] =	vst.msk $0xffff, v2  }
0x11: {  	s21 =	sshra.s32 s21, $0x2;
	v59 =	vld [tilespmem:s20+$0xFFFFFFF0];
	[tilespmem:s19+$0x3060 ss:$0x81] =	vst.msk $0xffff, v3  }
0x12: {  	v60 =	vld [tilespmem:s20+$0x0];
	[tilespmem:s19+$0x0 ss:$0x81] =	vst.msk $0xffff, v0;
	s18 =	sadd.s32 s21, s18  }
0x13: {  	v61 =	vld [tilespmem:s20+$0x10];
	[tilespmem:s18+$0x3870 ss:$0x81] =	vst.msk $0xffff, v4  }
0x14: {  	v62 =	vld [tilespmem:s20+$0x20];
	[tilespmem:s18+$0x810 ss:$0x81] =	vst.msk $0xffff, v5  }
0x15: {  	s16 =	sshll.u32 s16, $0x7;
	v63 =	vld [tilespmem:s20+$0xFFFFFFC0];
	s28 =	sand.u32 $0x78, s14;
	s29 =	sshll.u32 s14, $0x1;
	[tilespmem:s18+$0x1020 ss:$0x81] =	vst.msk $0xffff, v58  }
0x16: {  	s15 =	sshll.u32 s15, $0xB;
	s30 =	sshrl.u32 s14, $0x2;
	s16 =	sand.u32 $0x80, s16;
	[tilespmem:s18+$0x1830 ss:$0x81] =	vst.msk $0xffff, v59  }
0x17: {  	s31 =	sand.u32 $0x7, s14;
	s20 =	sand.u32 $0x1F00, s29;
	s16 =	sor.u32 s16, s28;
	[tilespmem:s18+$0x2040 ss:$0x81] =	vst.msk $0xffff, v60  }
0x18: {  	s19 =	sand.u32 $0x400, s30;
	s15 =	sadd.s32 s5, s15;
	s16 =	sor.u32 s20, s16;
	[tilespmem:s18+$0x2850 ss:$0x81] =	vst.msk $0xffff, v61  }
0x19: {  	s14 =	sshll.u32 s31, $0x12;
	s15 =	sadd.s32 s19, s15;
	s16 =	sshrl.u32 s16, $0x3;
	[tilespmem:s18+$0x3060 ss:$0x81] =	vst.msk $0xffff, v62  }
0x1a: {  	s14 =	sor.u32 $0x80, s14;
	[tilespmem:s18+$0x0 ss:$0x81] =	vst.msk $0xffff, v63;
	s15 =	sadd.s32 s16, s15  }
0x1b: {  	[hbm4b:s15+s14] =	stream.strided.scatter [tilespmem:s17], [sflag:$0x2], $0x4000, s9, s14, $0x20;
	[tilespmem:$0x10100] =	vst v63  }
.LBB1_5:
0x1c: {  	s17 =	sadd.s32 $0x80, s10  }
0x1d: {  	s14 =	sadd.s32 $0x800, s11;
	s18 =	smov.u32 s11;
	p2 =	sgt.s32 s17, $0x7FF  }
0x1e: {  	s18 =	smov.u32 @p2 s14  }
0x1f: {  	s20 =	smov.u32 s12;
	s14 =	sadd.s32 $0x2, s12;
	p3 =	sgt.s32 s18, $0x1FFF  }
0x20: {  	s20 =	smov.u32 @p3 s14  }
0x21: {  	s17 =	simm.s32 @p2 $0x0;
	p2 =	sgt.s32 s20, $0x1  }
0x22: {  	p1 =	slt.u32 s13, $0x2;
	s20 =	smov.u32 @p2 s2;
	p2 =	sne.s32 s13, s8  }
.Ltmp1:
0x23: {  	s19 =	simm.s32 @!p1 $0x2;
	(pc) =	sbr.rel @!p2 .LBB1_6-.Ltmp1, $4  }
0x24: {  	s15 =	smov.u32 s10;
	s16 =	smov.u32 s12;
	_ =	swait.ge @!p1 [sflag:s19], $0x4000  }
0x25: {  	p0 =	por !p0, !p0;
	[sflag:s19] =	ssyncset.done @!p1 $0x0;
	s10 =	smov.u32 s17  }
0x26: {  	s18 =	smov.u32 @p3 s1;
	s14 =	smov.u32 s11;
	[sflag:s19] =	ssyncadd.s32 @!p1 $0xFFFFC000  }
0x27: {  	s11 =	smov.u32 s18;
	s13 =	sadd.s32 $0x1, s13;
	s12 =	smov.u32 s20  }
.LBB1_1:
0x28: {  	p1 =	sge.u32 s13, s7;
	s31 =	sadd.s32 $0xFFFFFFFF, s13  }
0x29: {  	s17 =	sxor.u32 @!p1 $0xFFFFFFFF, s13;
	s18 =	sand.u32 @!p1 $0x78, s10;
	s19 =	sshll.u32 @!p1 s11, $0xB  }
0x2a: {  	s20 =	sshll.u32 @!p1 s11, $0x7;
	s21 =	sshll.u32 @!p1 s10, $0x3;
	s17 =	sshll.u32 @!p1 s17, $0xE  }
0x2b: {  	s19 =	sand.u32 @!p1 $0xFFC000, s19;
	s20 =	sand.u32 @!p1 $0x380, s20;
	s17 =	sand.u32 @!p1 $0x4000, s17  }
0x2c: {  	s19 =	sadd.s32 @!p1 s19, s21;
	s21 =	sand.u32 @!p1 $0x400, s21;
	s18 =	sor.u32 @!p1 s20, s18  }
0x2d: {  	s20 =	sshll.u32 @!p1 s12, $0x15;
	s18 =	sor.u32 @!p1 s21, s18;
	s19 =	sshrl.u32 @!p1 s19, $0x3  }
0x2e: {  	s20 =	sadd.s32 @!p1 s4, s20;
	s21 =	sand.u32 @!p1 $0x7, s10;
	s19 =	sand.u32 @!p1 $0x1FFF00, s19  }
0x2f: {  	s18 =	sshrl.u32 @!p1 s18, $0x3;
	s19 =	sadd.s32 @!p1 s19, s20;
	s20 =	sshll.u32 @!p1 s21, $0x12  }
0x30: {  	s18 =	sadd.s32 @!p1 s18, s19;
	s19 =	sor.u32 @!p1 $0x400, s20;
	s20 =	simm.s32 @!p1 $0x4000  }
0x31: {  	[tilespmem:s17], [sflag:$0x1] =	stream.strided.gather @!p1 [hbm4b:s18+s19], $0x4000, s20, s19, $0x38;
	[tilespmem:$0x10100] =	vst v63  }
0x32: {  	p1 =	sge.u32 s31, s7  }
.Ltmp2:
0x33: {  	_ = 	snop;
	(pc) =	sbr.rel @p1 .LBB1_5-.Ltmp2, $1  }
0x34: {  	_ =	sdelay $0x3  }
0x35: {  	s17 =	simm.s32 $0x1  }
0x36: {  	_ =	swait.ge [sflag:s6], $0x4000;
	s17 =	simm.s32 @!p0 $0x0  }
0x37: {  	[sflag:s6] =	ssyncset.done $0x0;
	s18 =	sshll.u32 s17, $0xE  }
0x38: {  	[sflag:s6] =	ssyncadd.s32 $0xFFFFC000;
	s20 =	sor.u32 $0x40, s18  }
0x39: {  	s17 =	smul.u32 $0x10200, s17;
	v0 =	vld [tilespmem:s20+$0x30]  }
0x3a: {  	v3 =	vld [tilespmem:s20+$0xFFFFFFD0]  }
0x3b: {  	s17 =	sshrl.u32 s17, $0x2;
	v4 =	vld [tilespmem:s20+$0xFFFFFFE0]  }
0x3c: {  	v5 =	vld [tilespmem:s20+$0xFFFFFFF0];
	s18 =	sor.u32 $0x8000, s17  }
0x3d: {  	s31 =	sand.u32 $0x1, s13;
	v1 =	vld [tilespmem:s20+$0x0];
	s19 =	sadd.s32 $0x0, s18  }
0x3e: {  	v2 =	vld [tilespmem:s20+$0x10];
	s17 =	smul.u32 $0x10200, s31;
	[tilespmem:s19+$0x3870 ss:$0x81] =	vst.msk $0xffff, v0  }
0x3f: {  	[tilespmem:s19+$0x810 ss:$0x81] =	vst.msk $0xffff, v3;
	v3 =	vld [tilespmem:s20+$0x20]  }
0x40: {  	s17 =	sshrl.u32 s17, $0x2;
	v0 =	vld [tilespmem:s20+$0xFFFFFFC0];
	[tilespmem:s19+$0x1020 ss:$0x81] =	vst.msk $0xffff, v4;
	s20 =	sadd.s32 $0x80, s20  }
0x41: {  	s21 =	simm.s32 $0x4;
	s22 =	simm.s32 $0x8;
	s17 =	sor.u32 $0x8000, s17;
	[tilespmem:s19+$0x1830 ss:$0x81] =	vst.msk $0xffff, v5;
	v4 =	vld [tilespmem:s20+$0x30]  }
.LBB1_3:
0x42: {  	p1 =	sne.s32 s22, $0x1FC;
	v5 =	vld [tilespmem:s20+$0xFFFFFFD0];
	[tilespmem:s19+$0x2040 ss:$0x81] =	vst.msk $0xffff, v1  }
0x43: {  	v6 =	vld [tilespmem:s20+$0xFFFFFFE0];
	[tilespmem:s19+$0x2850 ss:$0x81] =	vst.msk $0xffff, v2  }
0x44: {  	s23 =	sshra.s32 s21, $0x2;
	s21 =	smov.u32 s22;
	v7 =	vld [tilespmem:s20+$0xFFFFFFF0];
	[tilespmem:s19+$0x3060 ss:$0x81] =	vst.msk $0xffff, v3  }
.Ltmp3:
0x45: {  	v1 =	vld [tilespmem:s20+$0x0];
	[tilespmem:s19+$0x0 ss:$0x81] =	vst.msk $0xffff, v0;
	s19 =	sadd.s32 s23, s18;
	(pc) =	sbr.rel @p1 .LBB1_3-.Ltmp3, $4  }
0x46: {  	v2 =	vld [tilespmem:s20+$0x10];
	[tilespmem:s19+$0x3870 ss:$0x81] =	vst.msk $0xffff, v4  }
0x47: {  	[tilespmem:s19+$0x810 ss:$0x81] =	vst.msk $0xffff, v5;
	v3 =	vld [tilespmem:s20+$0x20]  }
0x48: {  	v0 =	vld [tilespmem:s20+$0xFFFFFFC0];
	[tilespmem:s19+$0x1020 ss:$0x81] =	vst.msk $0xffff, v6;
	s20 =	sadd.s32 $0x80, s20  }
0x49: {  	s22 =	sadd.s32 $0x4, s22;
	v4 =	vld [tilespmem:s20+$0x30];
	[tilespmem:s19+$0x1830 ss:$0x81] =	vst.msk $0xffff, v7  }
.Ltmp4:
0x4a: {  	_ = 	snop;
	(pc) =	sbr.rel .LBB1_4-.Ltmp4, $1  }
0x4b: {  	_ =	sdelay $0x3  }
.LBB1_6:
0x4c: {  	_ =	sfence.sel $0x180000  }
0x4d: {  	s1 =	simm.s32 $0x1;
	[bflag:$0x0] =	sbarrier.arrive $0xFFFF  }
0x4e: {  	s31 =	simm.s32 $0x2;
	[sflag:s1] =	ssyncpa.u1 $0x1  }
0x4f: {  	[sflag:s31] =	ssyncpa.u1 $0x1  }
0x50: {  	p0 =	sne.s32 s0, $0x0;
	_ =	strace $0x90000047  }
0x51: {  	s0 =	sadd.s32 @!p0 $0x100000, s3;
	[bflag:$0x2] =	sbarrier.arrive $0xFFFF  }
0x52: {  	[sflag:s0] =	ssyncadd.tile.s32 @!p0 $0x1;
	_ =	shalt  }
.Lfunc_end1:
_tile_overlayer_lowered:
.L_overlay_start_2:
0x53: {  	(tag) =	ssettag $0x2  }
0x54: {  	s0 =	rddreg [dreg:$0x0];
	s2 =	stileid.u32  }
0x55: {  	s1 =	rddreg [dreg:$0x1];
	p0 =	sne.s32 s2, $0x0  }
0x56: {  	s3 =	rddreg [dreg:$0x2];
	[bflag:$0x3] =	sbarrier.arrive $0xFFFF;
	s2 =	simm.s32 @!p0 $0x1C01  }
0x57: {  	[timem:s3], [sflag:s2] =	dma.local @!p0 [hbm:s0], s1  }
0x58: {  	s0 =	simm.s32 @!p0 $0x1  }
0x59: {  	_ =	swait.ge @!p0 [sflag:s0], s1  }
0x5a: {  	s1 =	ssub.s32 @!p0 $0x0, s1;
	[sflag:s0] =	ssyncset.done @!p0 $0x0  }
0x5b: {  	[sflag:s0] =	ssyncadd.s32 @!p0 s1  }
0x5c: {  	[bflag:$0x3] =	sbarrier.arrive $0xFFFF  }
0x5d: {  	_ =	shalt  }

</sc_bundles>
